<compile_context>
chip_gen: v7x
topology: tpu7x:2x2x1
jax: 0.10.2.dev20260603
libtpu: 0.0.44.dev20260713+nightly
codegen_flags: <defaults>
</compile_context>

<pallas_src>
import functools

import jax
import jax.numpy as jnp
from jax import lax
from jax.experimental import pallas as pl
from jax.experimental.pallas import tpu as pltpu
from jax.experimental.pallas import tpu_sc as plsc

_NUM_WORKERS = 32


def kernel(distance, similarities):
    B, I, J, K, D = distance.shape
    N = B * I * J
    PW = N // _NUM_WORKERS
    assert PW * _NUM_WORKERS == N
    WPB = _NUM_WORKERS // B
    IROWS = I // WPB

    dist = distance.reshape(N * K, D)
    sims = similarities.reshape(N, K)

    NQ = 2
    NR = N // NQ

    def argmax_body(s_hbm, arg_ref, idx_ref, s_v, sems):
        copies = [
            pltpu.async_copy(
                s_hbm.at[pl.ds(q * NR, NR)], s_v.at[pl.ds(q * NR, NR)], sems.at[q]
            )
            for q in range(NQ)
        ]
        for q in range(NQ):
            copies[q].wait()
            s = s_v[pl.ds(q * NR, NR), :]
            mx = jnp.max(s, axis=1, keepdims=True)
            kio = lax.broadcasted_iota(jnp.int32, (NR, K), 1).astype(jnp.float32)
            bf = jnp.min(jnp.where(s == mx, kio, float(K)), axis=1)
            bi = bf.astype(jnp.int32)
            arg_ref[pl.ds(q * (B // NQ), B // NQ)] = bi.reshape(B // NQ, I, J)
            idx_ref[pl.ds(q * NR, NR)] = (
                q * NR + lax.iota(jnp.int32, NR)
            ) * K + bi

    arg, idx = pl.pallas_call(
        argmax_body,
        in_specs=[pl.BlockSpec(memory_space=pl.ANY)],
        scratch_shapes=[
            pltpu.VMEM((N, K), jnp.float32),
            pltpu.SemaphoreType.DMA((NQ,)),
        ],
        out_shape=[
            jax.ShapeDtypeStruct((B, I, J), jnp.int32),
            jax.ShapeDtypeStruct((N,), jnp.int32),
        ],
    )(sims)

    mesh = plsc.VectorSubcoreMesh(core_axis_name="c", subcore_axis_name="s")

    @functools.partial(
        pl.kernel,
        mesh=mesh,
        compiler_params=pltpu.CompilerParams(needs_layout_passes=False),
        out_type=jax.ShapeDtypeStruct((B, I, J, D), jnp.float32),
        scratch_types=[
            pltpu.VMEM((PW,), jnp.int32),
            pltpu.VMEM((PW, D), jnp.float32),
            pltpu.SemaphoreType.DMA,
            pltpu.SemaphoreType.DMA,
        ],
    )
    def gather_body(dist_hbm, idx_hbm, out_hbm, idx_v, rows_v, sem_g, sem_w):
        wid = lax.axis_index("s") * 2 + lax.axis_index("c")
        base = wid * PW
        b0 = wid // WPB
        i0 = (wid % WPB) * IROWS
        pltpu.sync_copy(idx_hbm.at[pl.ds(base, PW)], idx_v)
        chunk_rows = (3, 2, 1)
        offs = [sum(chunk_rows[:c]) for c in range(len(chunk_rows))]
        gathers = [
            pltpu.async_copy(
                dist_hbm.at[idx_v.at[pl.ds(o * J, cr * J)]],
                rows_v.at[pl.ds(o * J, cr * J)],
                sem_g,
            )
            for o, cr in zip(offs, chunk_rows)
        ]
        writes = []
        for c, (o, cr) in enumerate(zip(offs, chunk_rows)):
            gathers[c].wait()
            for r in range(cr):
                ri = o + r
                writes.append(
                    pltpu.async_copy(
                        rows_v.at[pl.ds(ri * J, J)], out_hbm.at[b0, i0 + ri], sem_w
                    )
                )
        for w in writes:
            w.wait()

    out = gather_body(dist, idx)
    return out, arg

# --- scband reference (transcript-rebuilt; emitter-appended) ---
"""Pipeline reference for scband-local-feature-alignment-51565377356063 (READ-ONLY COPY).

The authoritative reference and input builder live on the scoring server;
editing this copy changes nothing except your own understanding.
"""

import jax, jax.numpy as jnp
import numpy as np


def setup_inputs(seed: int = 0) -> dict:
    key = jax.random.key(seed)
    k1, k2 = jax.random.split(key)
    distance = jax.random.normal(k1, (8, 24, 24, 32, 256), dtype=jnp.float32)
    similarities = jax.random.normal(k2, (8, 24, 24, 32), dtype=jnp.float32)
    return {"distance": distance, "similarities": similarities}


def reference(distance, similarities):
    # distance: [B, i, j, k, d]; similarities: [B, i, j, k]
    B, I, J, K, D = distance.shape
    # argmax over the candidate (k) axis -> best-matching neighbor per location
    argmx = jnp.argmax(similarities, axis=-1).astype(jnp.int32)  # [B, i, j]
    # reshape distance to [B, i*j, k, d] as in the TF layer
    dist = distance.reshape(B, I * J, K, D)
    # TF builds selector = stack([row_index(i*j), argmx]) and gather_nd with batch_dims=1:
    # gathered[b, r, c, :] = dist[b, r*J + c, argmx[b, r, c], :]
    # Equivalent: take_along_axis over the k axis with flattened spatial index order.
    idx = argmx.reshape(B, I * J, 1, 1)
    gathered = jnp.take_along_axis(dist, idx, axis=2)  # [B, i*j, 1, d]
    gathered = gathered[:, :, 0, :].reshape(B, I, J, D)  # [B, i, j, d]
    return gathered, argmx

if __name__ == "__main__":
    import jax
    _d = setup_inputs()
    print(jax.jit(kernel)(*tuple(_d.values())))

</pallas_src>

<mosaic_0001>
#map = affine_map<(d0, d1) -> (0, 0)>
#map1 = affine_map<(d0, d1) -> (0)>
#map2 = affine_map<(d0, d1) -> (0, 0, 0, 0)>
module attributes {stable_mosaic.version = 14 : i64} {
  func.func @gather_body(%arg0: i32, %arg1: i32, %arg2: memref<147456x256xf32, #tpu.memory_space<hbm>>, %arg3: memref<4608xi32, #tpu.memory_space<hbm>>, %arg4: memref<8x24x24x256xf32, #tpu.memory_space<hbm>>, %arg5: memref<144xi32, #tpu.memory_space<vmem>>, %arg6: memref<144x256xf32, #tpu.memory_space<vmem>>, %arg7: memref<!tpu.dma_semaphore, #tpu.memory_space<semaphore_mem>>, %arg8: memref<!tpu.dma_semaphore, #tpu.memory_space<semaphore_mem>>) attributes {dimension_semantics = [#tpu.dimension_semantics<core_parallel>, #tpu.dimension_semantics<subcore_parallel>], iteration_bounds = array<i64: 2, 16>, scalar_prefetch = 0 : i64, scratch_operands = 4 : i64, tpu.core_type = #tpu.core_type<sc_vector_subcore>, window_params = [{transform_indices = #map}, {transform_indices = #map1}, {transform_indices = #map2}]} {
    %mul3A = arith.constant 2 : i32
    %mul3A_0 = arith.muli %arg1, %mul3A : i32
    %add3A = arith.addi %mul3A_0, %arg0 : i32
    %mul3A_1 = arith.constant 144 : i32
    %mul3A_2 = arith.muli %add3A, %mul3A_1 : i32
    %jit3A = arith.constant 4 : i32
    %div3A = arith.divsi %add3A, %jit3A : i32
    %sign3A = arith.constant 0 : i32
    %sign3A_3 = arith.cmpi sgt, %add3A, %sign3A : i32
    %sign3A_4 = arith.extui %sign3A_3 : i1 to i32
    %sign3A_5 = arith.constant 0 : i32
    %sign3A_6 = arith.cmpi slt, %add3A, %sign3A_5 : i32
    %sign3A_7 = arith.extui %sign3A_6 : i1 to i32
    %sign3A_8 = arith.subi %sign3A_4, %sign3A_7 : i32
    %sign3A_9 = arith.constant 0 : i32
    %sign3A_10 = arith.cmpi sgt, %jit3A, %sign3A_9 : i32
    %sign3A_11 = arith.extui %sign3A_10 : i1 to i32
    %sign3A_12 = arith.constant 0 : i32
    %sign3A_13 = arith.cmpi slt, %jit3A, %sign3A_12 : i32
    %sign3A_14 = arith.extui %sign3A_13 : i1 to i32
    %sign3A_15 = arith.subi %sign3A_11, %sign3A_14 : i32
    %ne3A = arith.cmpi ne, %sign3A_8, %sign3A_15 : i32
    %rem3A = arith.remsi %add3A, %jit3A : i32
    %ne3A_16 = arith.constant 0 : i32
    %ne3A_17 = arith.cmpi ne, %rem3A, %ne3A_16 : i32
    %and3A = arith.andi %ne3A, %ne3A_17 : i1
    %sub3A = arith.constant 1 : i32
    %sub3A_18 = arith.subi %div3A, %sub3A : i32
    %select_n3A = arith.select %and3A, %sub3A_18, %div3A : i32
    %jit3A_19 = arith.constant 4 : i32
    %eq3A = arith.constant 0 : i32
    %eq3A_20 = arith.cmpi eq, %jit3A_19, %eq3A : i32
    %jit3A_21 = arith.constant 1 : i32
    %select_n3A_22 = arith.select %eq3A_20, %jit3A_21, %jit3A_19 : i32
    %rem3A_23 = arith.remsi %add3A, %select_n3A_22 : i32
    %ne3A_24 = arith.constant 0 : i32
    %ne3A_25 = arith.cmpi ne, %rem3A_23, %ne3A_24 : i32
    %lt3A = arith.constant 0 : i32
    %lt3A_26 = arith.cmpi slt, %rem3A_23, %lt3A : i32
    %lt3A_27 = arith.constant 0 : i32
    %lt3A_28 = arith.cmpi slt, %select_n3A_22, %lt3A_27 : i32
    %ne3A_29 = arith.xori %lt3A_26, %lt3A_28 : i1
    %and3A_30 = arith.andi %ne3A_29, %ne3A_25 : i1
    %add3A_31 = arith.addi %rem3A_23, %select_n3A_22 : i32
    %select_n3A_32 = arith.select %and3A_30, %add3A_31, %rem3A_23 : i32
    %mul3A_33 = arith.constant 6 : i32
    %mul3A_34 = arith.muli %select_n3A_32, %mul3A_33 : i32
    "tpu.region"() ({
      %run_scoped3A = tpu.sem_alloc : memref<!tpu.dma_semaphore, #tpu.memory_space<semaphore_mem>>
      %dma_start3A_261 = tpu.memref_slice %arg3[%mul3A_2] : memref<4608xi32, #tpu.memory_space<hbm>> -> memref<144xi32, #tpu.memory_space<hbm>>
      %dma_start3A_262 = tpu.memref_slice %arg3[%mul3A_2] : memref<4608xi32, #tpu.memory_space<hbm>> -> memref<144xi32, #tpu.memory_space<hbm>>
      tpu.enqueue_dma source(%dma_start3A_262 : memref<144xi32, #tpu.memory_space<hbm>>) target(%arg5 : memref<144xi32, #tpu.memory_space<vmem>>) target_semaphore(%run_scoped3A : memref<!tpu.dma_semaphore, #tpu.memory_space<semaphore_mem>>)
      %dma_wait3A_263 = tpu.memref_slice %arg3[%mul3A_2] : memref<4608xi32, #tpu.memory_space<hbm>> -> memref<144xi32, #tpu.memory_space<hbm>>
      %dma_wait3A_264 = tpu.memref_slice %arg3[%mul3A_2] : memref<4608xi32, #tpu.memory_space<hbm>> -> memref<144xi32, #tpu.memory_space<hbm>>
      tpu.wait_dma2 semaphore(%run_scoped3A : memref<!tpu.dma_semaphore, #tpu.memory_space<semaphore_mem>>) src(%dma_wait3A_264 : memref<144xi32, #tpu.memory_space<hbm>>) dst(%arg5 : memref<144xi32, #tpu.memory_space<vmem>>)
      tpu.yield
    }) : () -> ()
    %dma_start3A = arith.constant 0 : i32
    %dma_start3A_35 = arith.constant 0 : i32
    %dma_start3A_36 = tpu.memref_slice %arg6[%dma_start3A, %dma_start3A_35] : memref<144x256xf32, #tpu.memory_space<vmem>> -> memref<72x256xf32, #tpu.memory_space<vmem>>
    %dma_start3A_37 = arith.constant 0 : i32
    %dma_start3A_38 = tpu.memref_slice %arg5[%dma_start3A_37] : memref<144xi32, #tpu.memory_space<vmem>> -> memref<72xi32, #tpu.memory_space<vmem>>
    %dma_start3A_39 = arith.constant 0 : i32
    %dma_start3A_40 = arith.constant 0 : i32
    %dma_start3A_41 = tpu.memref_slice %arg2[%dma_start3A_39, %dma_start3A_40] : memref<147456x256xf32, #tpu.memory_space<hbm>> -> memref<147456x256xf32, #tpu.memory_space<hbm>>
    tpu.enqueue_indirect_dma source(%dma_start3A_41 : memref<147456x256xf32, #tpu.memory_space<hbm>>) target(%dma_start3A_36 : memref<72x256xf32, #tpu.memory_space<vmem>>) offsets(%dma_start3A_38 : memref<72xi32, #tpu.memory_space<vmem>>) semaphore(%arg7 : memref<!tpu.dma_semaphore, #tpu.memory_space<semaphore_mem>>)
    %dma_start3A_42 = arith.constant 72 : i32
    %dma_start3A_43 = arith.constant 0 : i32
    %dma_start3A_44 = tpu.memref_slice %arg6[%dma_start3A_42, %dma_start3A_43] : memref<144x256xf32, #tpu.memory_space<vmem>> -> memref<48x256xf32, #tpu.memory_space<vmem>>
    %dma_start3A_45 = arith.constant 72 : i32
    %dma_start3A_46 = tpu.memref_slice %arg5[%dma_start3A_45] : memref<144xi32, #tpu.memory_space<vmem>> -> memref<48xi32, #tpu.memory_space<vmem>>
    %dma_start3A_47 = arith.constant 0 : i32
    %dma_start3A_48 = arith.constant 0 : i32
    %dma_start3A_49 = tpu.memref_slice %arg2[%dma_start3A_47, %dma_start3A_48] : memref<147456x256xf32, #tpu.memory_space<hbm>> -> memref<147456x256xf32, #tpu.memory_space<hbm>>
    tpu.enqueue_indirect_dma source(%dma_start3A_49 : memref<147456x256xf32, #tpu.memory_space<hbm>>) target(%dma_start3A_44 : memref<48x256xf32, #tpu.memory_space<vmem>>) offsets(%dma_start3A_46 : memref<48xi32, #tpu.memory_space<vmem>>) semaphore(%arg7 : memref<!tpu.dma_semaphore, #tpu.memory_space<semaphore_mem>>)
    %dma_start3A_50 = arith.constant 120 : i32
    %dma_start3A_51 = arith.constant 0 : i32
    %dma_start3A_52 = tpu.memref_slice %arg6[%dma_start3A_50, %dma_start3A_51] : memref<144x256xf32, #tpu.memory_space<vmem>> -> memref<24x256xf32, #tpu.memory_space<vmem>>
    %dma_start3A_53 = arith.constant 120 : i32
    %dma_start3A_54 = tpu.memref_slice %arg5[%dma_start3A_53] : memref<144xi32, #tpu.memory_space<vmem>> -> memref<24xi32, #tpu.memory_space<vmem>>
    %dma_start3A_55 = arith.constant 0 : i32
    %dma_start3A_56 = arith.constant 0 : i32
    %dma_start3A_57 = tpu.memref_slice %arg2[%dma_start3A_55, %dma_start3A_56] : memref<147456x256xf32, #tpu.memory_space<hbm>> -> memref<147456x256xf32, #tpu.memory_space<hbm>>
    tpu.enqueue_indirect_dma source(%dma_start3A_57 : memref<147456x256xf32, #tpu.memory_space<hbm>>) target(%dma_start3A_52 : memref<24x256xf32, #tpu.memory_space<vmem>>) offsets(%dma_start3A_54 : memref<24xi32, #tpu.memory_space<vmem>>) semaphore(%arg7 : memref<!tpu.dma_semaphore, #tpu.memory_space<semaphore_mem>>)
    %dma_wait3A = arith.constant 0 : i32
    %dma_wait3A_58 = arith.constant 0 : i32
    %dma_wait3A_59 = tpu.memref_slice %arg6[%dma_wait3A, %dma_wait3A_58] : memref<144x256xf32, #tpu.memory_space<vmem>> -> memref<72x256xf32, #tpu.memory_space<vmem>>
    %dma_wait3A_60 = arith.constant 0 : i32
    %dma_wait3A_61 = tpu.memref_slice %arg5[%dma_wait3A_60] : memref<144xi32, #tpu.memory_space<vmem>> -> memref<72xi32, #tpu.memory_space<vmem>>
    %dma_wait3A_62 = arith.constant 0 : i32
    %dma_wait3A_63 = arith.constant 0 : i32
    %dma_wait3A_64 = tpu.memref_slice %arg2[%dma_wait3A_62, %dma_wait3A_63] : memref<147456x256xf32, #tpu.memory_space<hbm>> -> memref<147456x256xf32, #tpu.memory_space<hbm>>
    tpu.wait_indirect_dma semaphore(%arg7 : memref<!tpu.dma_semaphore, #tpu.memory_space<semaphore_mem>>) src(%dma_wait3A_64 : memref<147456x256xf32, #tpu.memory_space<hbm>>) dst(%dma_wait3A_59 : memref<72x256xf32, #tpu.memory_space<vmem>>)
    %add3A_65 = arith.constant 0 : i32
    %add3A_66 = arith.addi %mul3A_34, %add3A_65 : i32
    %dma_start3A_67 = arith.constant 0 : i32
    %dma_start3A_68 = arith.constant 0 : i32
    %dma_start3A_69 = tpu.memref_slice %arg6[%dma_start3A_67, %dma_start3A_68] : memref<144x256xf32, #tpu.memory_space<vmem>> -> memref<24x256xf32, #tpu.memory_space<vmem>>
    %dma_start3A_70 = arith.constant 0 : i32
    %dma_start3A_71 = arith.constant 0 : i32
    %dma_start3A_72 = tpu.memref_slice %arg4[%select_n3A, %add3A_66, %dma_start3A_70, %dma_start3A_71] : memref<8x24x24x256xf32, #tpu.memory_space<hbm>> -> memref<1x1x24x256xf32, #tpu.memory_space<hbm>>
    %dma_start3A_73 = tpu.memref_squeeze %dma_start3A_72 : memref<1x1x24x256xf32, #tpu.memory_space<hbm>> -> memref<24x256xf32, #tpu.memory_space<hbm>>
    %dma_start3A_74 = arith.constant 0 : i32
    %dma_start3A_75 = arith.constant 0 : i32
    %dma_start3A_76 = tpu.memref_slice %arg4[%select_n3A, %add3A_66, %dma_start3A_74, %dma_start3A_75] : memref<8x24x24x256xf32, #tpu.memory_space<hbm>> -> memref<1x1x24x256xf32, #tpu.memory_space<hbm>>
    %dma_start3A_77 = tpu.memref_squeeze %dma_start3A_76 : memref<1x1x24x256xf32, #tpu.memory_space<hbm>> -> memref<24x256xf32, #tpu.memory_space<hbm>>
    %dma_start3A_78 = arith.constant 0 : i32
    %dma_start3A_79 = arith.constant 0 : i32
    %dma_start3A_80 = tpu.memref_slice %arg6[%dma_start3A_78, %dma_start3A_79] : memref<144x256xf32, #tpu.memory_space<vmem>> -> memref<24x256xf32, #tpu.memory_space<vmem>>
    tpu.enqueue_dma source(%dma_start3A_80 : memref<24x256xf32, #tpu.memory_space<vmem>>) target(%dma_start3A_77 : memref<24x256xf32, #tpu.memory_space<hbm>>) target_semaphore(%arg8 : memref<!tpu.dma_semaphore, #tpu.memory_space<semaphore_mem>>)
    %add3A_81 = arith.constant 1 : i32
    %add3A_82 = arith.addi %mul3A_34, %add3A_81 : i32
    %dma_start3A_83 = arith.constant 24 : i32
    %dma_start3A_84 = arith.constant 0 : i32
    %dma_start3A_85 = tpu.memref_slice %arg6[%dma_start3A_83, %dma_start3A_84] : memref<144x256xf32, #tpu.memory_space<vmem>> -> memref<24x256xf32, #tpu.memory_space<vmem>>
    %dma_start3A_86 = arith.constant 0 : i32
    %dma_start3A_87 = arith.constant 0 : i32
    %dma_start3A_88 = tpu.memref_slice %arg4[%select_n3A, %add3A_82, %dma_start3A_86, %dma_start3A_87] : memref<8x24x24x256xf32, #tpu.memory_space<hbm>> -> memref<1x1x24x256xf32, #tpu.memory_space<hbm>>
    %dma_start3A_89 = tpu.memref_squeeze %dma_start3A_88 : memref<1x1x24x256xf32, #tpu.memory_space<hbm>> -> memref<24x256xf32, #tpu.memory_space<hbm>>
    %dma_start3A_90 = arith.constant 0 : i32
    %dma_start3A_91 = arith.constant 0 : i32
    %dma_start3A_92 = tpu.memref_slice %arg4[%select_n3A, %add3A_82, %dma_start3A_90, %dma_start3A_91] : memref<8x24x24x256xf32, #tpu.memory_space<hbm>> -> memref<1x1x24x256xf32, #tpu.memory_space<hbm>>
    %dma_start3A_93 = tpu.memref_squeeze %dma_start3A_92 : memref<1x1x24x256xf32, #tpu.memory_space<hbm>> -> memref<24x256xf32, #tpu.memory_space<hbm>>
    %dma_start3A_94 = arith.constant 24 : i32
    %dma_start3A_95 = arith.constant 0 : i32
    %dma_start3A_96 = tpu.memref_slice %arg6[%dma_start3A_94, %dma_start3A_95] : memref<144x256xf32, #tpu.memory_space<vmem>> -> memref<24x256xf32, #tpu.memory_space<vmem>>
    tpu.enqueue_dma source(%dma_start3A_96 : memref<24x256xf32, #tpu.memory_space<vmem>>) target(%dma_start3A_93 : memref<24x256xf32, #tpu.memory_space<hbm>>) target_semaphore(%arg8 : memref<!tpu.dma_semaphore, #tpu.memory_space<semaphore_mem>>)
    %add3A_97 = arith.constant 2 : i32
    %add3A_98 = arith.addi %mul3A_34, %add3A_97 : i32
    %dma_start3A_99 = arith.constant 48 : i32
    %dma_start3A_100 = arith.constant 0 : i32
    %dma_start3A_101 = tpu.memref_slice %arg6[%dma_start3A_99, %dma_start3A_100] : memref<144x256xf32, #tpu.memory_space<vmem>> -> memref<24x256xf32, #tpu.memory_space<vmem>>
    %dma_start3A_102 = arith.constant 0 : i32
    %dma_start3A_103 = arith.constant 0 : i32
    %dma_start3A_104 = tpu.memref_slice %arg4[%select_n3A, %add3A_98, %dma_start3A_102, %dma_start3A_103] : memref<8x24x24x256xf32, #tpu.memory_space<hbm>> -> memref<1x1x24x256xf32, #tpu.memory_space<hbm>>
    %dma_start3A_105 = tpu.memref_squeeze %dma_start3A_104 : memref<1x1x24x256xf32, #tpu.memory_space<hbm>> -> memref<24x256xf32, #tpu.memory_space<hbm>>
    %dma_start3A_106 = arith.constant 0 : i32
    %dma_start3A_107 = arith.constant 0 : i32
    %dma_start3A_108 = tpu.memref_slice %arg4[%select_n3A, %add3A_98, %dma_start3A_106, %dma_start3A_107] : memref<8x24x24x256xf32, #tpu.memory_space<hbm>> -> memref<1x1x24x256xf32, #tpu.memory_space<hbm>>
    %dma_start3A_109 = tpu.memref_squeeze %dma_start3A_108 : memref<1x1x24x256xf32, #tpu.memory_space<hbm>> -> memref<24x256xf32, #tpu.memory_space<hbm>>
    %dma_start3A_110 = arith.constant 48 : i32
    %dma_start3A_111 = arith.constant 0 : i32
    %dma_start3A_112 = tpu.memref_slice %arg6[%dma_start3A_110, %dma_start3A_111] : memref<144x256xf32, #tpu.memory_space<vmem>> -> memref<24x256xf32, #tpu.memory_space<vmem>>
    tpu.enqueue_dma source(%dma_start3A_112 : memref<24x256xf32, #tpu.memory_space<vmem>>) target(%dma_start3A_109 : memref<24x256xf32, #tpu.memory_space<hbm>>) target_semaphore(%arg8 : memref<!tpu.dma_semaphore, #tpu.memory_space<semaphore_mem>>)
    %dma_wait3A_113 = arith.constant 72 : i32
    %dma_wait3A_114 = arith.constant 0 : i32
    %dma_wait3A_115 = tpu.memref_slice %arg6[%dma_wait3A_113, %dma_wait3A_114] : memref<144x256xf32, #tpu.memory_space<vmem>> -> memref<48x256xf32, #tpu.memory_space<vmem>>
    %dma_wait3A_116 = arith.constant 72 : i32
    %dma_wait3A_117 = tpu.memref_slice %arg5[%dma_wait3A_116] : memref<144xi32, #tpu.memory_space<vmem>> -> memref<48xi32, #tpu.memory_space<vmem>>
    %dma_wait3A_118 = arith.constant 0 : i32
    %dma_wait3A_119 = arith.constant 0 : i32
    %dma_wait3A_120 = tpu.memref_slice %arg2[%dma_wait3A_118, %dma_wait3A_119] : memref<147456x256xf32, #tpu.memory_space<hbm>> -> memref<147456x256xf32, #tpu.memory_space<hbm>>
    tpu.wait_indirect_dma semaphore(%arg7 : memref<!tpu.dma_semaphore, #tpu.memory_space<semaphore_mem>>) src(%dma_wait3A_120 : memref<147456x256xf32, #tpu.memory_space<hbm>>) dst(%dma_wait3A_115 : memref<48x256xf32, #tpu.memory_space<vmem>>)
    %add3A_121 = arith.constant 3 : i32
    %add3A_122 = arith.addi %mul3A_34, %add3A_121 : i32
    %dma_start3A_123 = arith.constant 72 : i32
    %dma_start3A_124 = arith.constant 0 : i32
    %dma_start3A_125 = tpu.memref_slice %arg6[%dma_start3A_123, %dma_start3A_124] : memref<144x256xf32, #tpu.memory_space<vmem>> -> memref<24x256xf32, #tpu.memory_space<vmem>>
    %dma_start3A_126 = arith.constant 0 : i32
    %dma_start3A_127 = arith.constant 0 : i32
    %dma_start3A_128 = tpu.memref_slice %arg4[%select_n3A, %add3A_122, %dma_start3A_126, %dma_start3A_127] : memref<8x24x24x256xf32, #tpu.memory_space<hbm>> -> memref<1x1x24x256xf32, #tpu.memory_space<hbm>>
    %dma_start3A_129 = tpu.memref_squeeze %dma_start3A_128 : memref<1x1x24x256xf32, #tpu.memory_space<hbm>> -> memref<24x256xf32, #tpu.memory_space<hbm>>
    %dma_start3A_130 = arith.constant 0 : i32
    %dma_start3A_131 = arith.constant 0 : i32
    %dma_start3A_132 = tpu.memref_slice %arg4[%select_n3A, %add3A_122, %dma_start3A_130, %dma_start3A_131] : memref<8x24x24x256xf32, #tpu.memory_space<hbm>> -> memref<1x1x24x256xf32, #tpu.memory_space<hbm>>
    %dma_start3A_133 = tpu.memref_squeeze %dma_start3A_132 : memref<1x1x24x256xf32, #tpu.memory_space<hbm>> -> memref<24x256xf32, #tpu.memory_space<hbm>>
    %dma_start3A_134 = arith.constant 72 : i32
    %dma_start3A_135 = arith.constant 0 : i32
    %dma_start3A_136 = tpu.memref_slice %arg6[%dma_start3A_134, %dma_start3A_135] : memref<144x256xf32, #tpu.memory_space<vmem>> -> memref<24x256xf32, #tpu.memory_space<vmem>>
    tpu.enqueue_dma source(%dma_start3A_136 : memref<24x256xf32, #tpu.memory_space<vmem>>) target(%dma_start3A_133 : memref<24x256xf32, #tpu.memory_space<hbm>>) target_semaphore(%arg8 : memref<!tpu.dma_semaphore, #tpu.memory_space<semaphore_mem>>)
    %add3A_137 = arith.constant 4 : i32
    %add3A_138 = arith.addi %mul3A_34, %add3A_137 : i32
    %dma_start3A_139 = arith.constant 96 : i32
    %dma_start3A_140 = arith.constant 0 : i32
    %dma_start3A_141 = tpu.memref_slice %arg6[%dma_start3A_139, %dma_start3A_140] : memref<144x256xf32, #tpu.memory_space<vmem>> -> memref<24x256xf32, #tpu.memory_space<vmem>>
    %dma_start3A_142 = arith.constant 0 : i32
    %dma_start3A_143 = arith.constant 0 : i32
    %dma_start3A_144 = tpu.memref_slice %arg4[%select_n3A, %add3A_138, %dma_start3A_142, %dma_start3A_143] : memref<8x24x24x256xf32, #tpu.memory_space<hbm>> -> memref<1x1x24x256xf32, #tpu.memory_space<hbm>>
    %dma_start3A_145 = tpu.memref_squeeze %dma_start3A_144 : memref<1x1x24x256xf32, #tpu.memory_space<hbm>> -> memref<24x256xf32, #tpu.memory_space<hbm>>
    %dma_start3A_146 = arith.constant 0 : i32
    %dma_start3A_147 = arith.constant 0 : i32
    %dma_start3A_148 = tpu.memref_slice %arg4[%select_n3A, %add3A_138, %dma_start3A_146, %dma_start3A_147] : memref<8x24x24x256xf32, #tpu.memory_space<hbm>> -> memref<1x1x24x256xf32, #tpu.memory_space<hbm>>
    %dma_start3A_149 = tpu.memref_squeeze %dma_start3A_148 : memref<1x1x24x256xf32, #tpu.memory_space<hbm>> -> memref<24x256xf32, #tpu.memory_space<hbm>>
    %dma_start3A_150 = arith.constant 96 : i32
    %dma_start3A_151 = arith.constant 0 : i32
    %dma_start3A_152 = tpu.memref_slice %arg6[%dma_start3A_150, %dma_start3A_151] : memref<144x256xf32, #tpu.memory_space<vmem>> -> memref<24x256xf32, #tpu.memory_space<vmem>>
    tpu.enqueue_dma source(%dma_start3A_152 : memref<24x256xf32, #tpu.memory_space<vmem>>) target(%dma_start3A_149 : memref<24x256xf32, #tpu.memory_space<hbm>>) target_semaphore(%arg8 : memref<!tpu.dma_semaphore, #tpu.memory_space<semaphore_mem>>)
    %dma_wait3A_153 = arith.constant 120 : i32
    %dma_wait3A_154 = arith.constant 0 : i32
    %dma_wait3A_155 = tpu.memref_slice %arg6[%dma_wait3A_153, %dma_wait3A_154] : memref<144x256xf32, #tpu.memory_space<vmem>> -> memref<24x256xf32, #tpu.memory_space<vmem>>
    %dma_wait3A_156 = arith.constant 120 : i32
    %dma_wait3A_157 = tpu.memref_slice %arg5[%dma_wait3A_156] : memref<144xi32, #tpu.memory_space<vmem>> -> memref<24xi32, #tpu.memory_space<vmem>>
    %dma_wait3A_158 = arith.constant 0 : i32
    %dma_wait3A_159 = arith.constant 0 : i32
    %dma_wait3A_160 = tpu.memref_slice %arg2[%dma_wait3A_158, %dma_wait3A_159] : memref<147456x256xf32, #tpu.memory_space<hbm>> -> memref<147456x256xf32, #tpu.memory_space<hbm>>
    tpu.wait_indirect_dma semaphore(%arg7 : memref<!tpu.dma_semaphore, #tpu.memory_space<semaphore_mem>>) src(%dma_wait3A_160 : memref<147456x256xf32, #tpu.memory_space<hbm>>) dst(%dma_wait3A_155 : memref<24x256xf32, #tpu.memory_space<vmem>>)
    %add3A_161 = arith.constant 5 : i32
    %add3A_162 = arith.addi %mul3A_34, %add3A_161 : i32
    %dma_start3A_163 = arith.constant 120 : i32
    %dma_start3A_164 = arith.constant 0 : i32
    %dma_start3A_165 = tpu.memref_slice %arg6[%dma_start3A_163, %dma_start3A_164] : memref<144x256xf32, #tpu.memory_space<vmem>> -> memref<24x256xf32, #tpu.memory_space<vmem>>
    %dma_start3A_166 = arith.constant 0 : i32
    %dma_start3A_167 = arith.constant 0 : i32
    %dma_start3A_168 = tpu.memref_slice %arg4[%select_n3A, %add3A_162, %dma_start3A_166, %dma_start3A_167] : memref<8x24x24x256xf32, #tpu.memory_space<hbm>> -> memref<1x1x24x256xf32, #tpu.memory_space<hbm>>
    %dma_start3A_169 = tpu.memref_squeeze %dma_start3A_168 : memref<1x1x24x256xf32, #tpu.memory_space<hbm>> -> memref<24x256xf32, #tpu.memory_space<hbm>>
    %dma_start3A_170 = arith.constant 0 : i32
    %dma_start3A_171 = arith.constant 0 : i32
    %dma_start3A_172 = tpu.memref_slice %arg4[%select_n3A, %add3A_162, %dma_start3A_170, %dma_start3A_171] : memref<8x24x24x256xf32, #tpu.memory_space<hbm>> -> memref<1x1x24x256xf32, #tpu.memory_space<hbm>>
    %dma_start3A_173 = tpu.memref_squeeze %dma_start3A_172 : memref<1x1x24x256xf32, #tpu.memory_space<hbm>> -> memref<24x256xf32, #tpu.memory_space<hbm>>
    %dma_start3A_174 = arith.constant 120 : i32
    %dma_start3A_175 = arith.constant 0 : i32
    %dma_start3A_176 = tpu.memref_slice %arg6[%dma_start3A_174, %dma_start3A_175] : memref<144x256xf32, #tpu.memory_space<vmem>> -> memref<24x256xf32, #tpu.memory_space<vmem>>
    tpu.enqueue_dma source(%dma_start3A_176 : memref<24x256xf32, #tpu.memory_space<vmem>>) target(%dma_start3A_173 : memref<24x256xf32, #tpu.memory_space<hbm>>) target_semaphore(%arg8 : memref<!tpu.dma_semaphore, #tpu.memory_space<semaphore_mem>>)
    %dma_wait3A_177 = arith.constant 0 : i32
    %dma_wait3A_178 = arith.constant 0 : i32
    %dma_wait3A_179 = tpu.memref_slice %arg6[%dma_wait3A_177, %dma_wait3A_178] : memref<144x256xf32, #tpu.memory_space<vmem>> -> memref<24x256xf32, #tpu.memory_space<vmem>>
    %dma_wait3A_180 = arith.constant 0 : i32
    %dma_wait3A_181 = arith.constant 0 : i32
    %dma_wait3A_182 = tpu.memref_slice %arg4[%select_n3A, %add3A_66, %dma_wait3A_180, %dma_wait3A_181] : memref<8x24x24x256xf32, #tpu.memory_space<hbm>> -> memref<1x1x24x256xf32, #tpu.memory_space<hbm>>
    %dma_wait3A_183 = tpu.memref_squeeze %dma_wait3A_182 : memref<1x1x24x256xf32, #tpu.memory_space<hbm>> -> memref<24x256xf32, #tpu.memory_space<hbm>>
    %dma_wait3A_184 = arith.constant 0 : i32
    %dma_wait3A_185 = arith.constant 0 : i32
    %dma_wait3A_186 = tpu.memref_slice %arg4[%select_n3A, %add3A_66, %dma_wait3A_184, %dma_wait3A_185] : memref<8x24x24x256xf32, #tpu.memory_space<hbm>> -> memref<1x1x24x256xf32, #tpu.memory_space<hbm>>
    %dma_wait3A_187 = tpu.memref_squeeze %dma_wait3A_186 : memref<1x1x24x256xf32, #tpu.memory_space<hbm>> -> memref<24x256xf32, #tpu.memory_space<hbm>>
    %dma_wait3A_188 = arith.constant 0 : i32
    %dma_wait3A_189 = arith.constant 0 : i32
    %dma_wait3A_190 = tpu.memref_slice %arg6[%dma_wait3A_188, %dma_wait3A_189] : memref<144x256xf32, #tpu.memory_space<vmem>> -> memref<24x256xf32, #tpu.memory_space<vmem>>
    tpu.wait_dma2 semaphore(%arg8 : memref<!tpu.dma_semaphore, #tpu.memory_space<semaphore_mem>>) src(%dma_wait3A_190 : memref<24x256xf32, #tpu.memory_space<vmem>>) dst(%dma_wait3A_187 : memref<24x256xf32, #tpu.memory_space<hbm>>)
    %dma_wait3A_191 = arith.constant 24 : i32
    %dma_wait3A_192 = arith.constant 0 : i32
    %dma_wait3A_193 = tpu.memref_slice %arg6[%dma_wait3A_191, %dma_wait3A_192] : memref<144x256xf32, #tpu.memory_space<vmem>> -> memref<24x256xf32, #tpu.memory_space<vmem>>
    %dma_wait3A_194 = arith.constant 0 : i32
    %dma_wait3A_195 = arith.constant 0 : i32
    %dma_wait3A_196 = tpu.memref_slice %arg4[%select_n3A, %add3A_82, %dma_wait3A_194, %dma_wait3A_195] : memref<8x24x24x256xf32, #tpu.memory_space<hbm>> -> memref<1x1x24x256xf32, #tpu.memory_space<hbm>>
    %dma_wait3A_197 = tpu.memref_squeeze %dma_wait3A_196 : memref<1x1x24x256xf32, #tpu.memory_space<hbm>> -> memref<24x256xf32, #tpu.memory_space<hbm>>
    %dma_wait3A_198 = arith.constant 0 : i32
    %dma_wait3A_199 = arith.constant 0 : i32
    %dma_wait3A_200 = tpu.memref_slice %arg4[%select_n3A, %add3A_82, %dma_wait3A_198, %dma_wait3A_199] : memref<8x24x24x256xf32, #tpu.memory_space<hbm>> -> memref<1x1x24x256xf32, #tpu.memory_space<hbm>>
    %dma_wait3A_201 = tpu.memref_squeeze %dma_wait3A_200 : memref<1x1x24x256xf32, #tpu.memory_space<hbm>> -> memref<24x256xf32, #tpu.memory_space<hbm>>
    %dma_wait3A_202 = arith.constant 24 : i32
    %dma_wait3A_203 = arith.constant 0 : i32
    %dma_wait3A_204 = tpu.memref_slice %arg6[%dma_wait3A_202, %dma_wait3A_203] : memref<144x256xf32, #tpu.memory_space<vmem>> -> memref<24x256xf32, #tpu.memory_space<vmem>>
    tpu.wait_dma2 semaphore(%arg8 : memref<!tpu.dma_semaphore, #tpu.memory_space<semaphore_mem>>) src(%dma_wait3A_204 : memref<24x256xf32, #tpu.memory_space<vmem>>) dst(%dma_wait3A_201 : memref<24x256xf32, #tpu.memory_space<hbm>>)
    %dma_wait3A_205 = arith.constant 48 : i32
    %dma_wait3A_206 = arith.constant 0 : i32
    %dma_wait3A_207 = tpu.memref_slice %arg6[%dma_wait3A_205, %dma_wait3A_206] : memref<144x256xf32, #tpu.memory_space<vmem>> -> memref<24x256xf32, #tpu.memory_space<vmem>>
    %dma_wait3A_208 = arith.constant 0 : i32
    %dma_wait3A_209 = arith.constant 0 : i32
    %dma_wait3A_210 = tpu.memref_slice %arg4[%select_n3A, %add3A_98, %dma_wait3A_208, %dma_wait3A_209] : memref<8x24x24x256xf32, #tpu.memory_space<hbm>> -> memref<1x1x24x256xf32, #tpu.memory_space<hbm>>
    %dma_wait3A_211 = tpu.memref_squeeze %dma_wait3A_210 : memref<1x1x24x256xf32, #tpu.memory_space<hbm>> -> memref<24x256xf32, #tpu.memory_space<hbm>>
    %dma_wait3A_212 = arith.constant 0 : i32
    %dma_wait3A_213 = arith.constant 0 : i32
    %dma_wait3A_214 = tpu.memref_slice %arg4[%select_n3A, %add3A_98, %dma_wait3A_212, %dma_wait3A_213] : memref<8x24x24x256xf32, #tpu.memory_space<hbm>> -> memref<1x1x24x256xf32, #tpu.memory_space<hbm>>
    %dma_wait3A_215 = tpu.memref_squeeze %dma_wait3A_214 : memref<1x1x24x256xf32, #tpu.memory_space<hbm>> -> memref<24x256xf32, #tpu.memory_space<hbm>>
    %dma_wait3A_216 = arith.constant 48 : i32
    %dma_wait3A_217 = arith.constant 0 : i32
    %dma_wait3A_218 = tpu.memref_slice %arg6[%dma_wait3A_216, %dma_wait3A_217] : memref<144x256xf32, #tpu.memory_space<vmem>> -> memref<24x256xf32, #tpu.memory_space<vmem>>
    tpu.wait_dma2 semaphore(%arg8 : memref<!tpu.dma_semaphore, #tpu.memory_space<semaphore_mem>>) src(%dma_wait3A_218 : memref<24x256xf32, #tpu.memory_space<vmem>>) dst(%dma_wait3A_215 : memref<24x256xf32, #tpu.memory_space<hbm>>)
    %dma_wait3A_219 = arith.constant 72 : i32
    %dma_wait3A_220 = arith.constant 0 : i32
    %dma_wait3A_221 = tpu.memref_slice %arg6[%dma_wait3A_219, %dma_wait3A_220] : memref<144x256xf32, #tpu.memory_space<vmem>> -> memref<24x256xf32, #tpu.memory_space<vmem>>
    %dma_wait3A_222 = arith.constant 0 : i32
    %dma_wait3A_223 = arith.constant 0 : i32
    %dma_wait3A_224 = tpu.memref_slice %arg4[%select_n3A, %add3A_122, %dma_wait3A_222, %dma_wait3A_223] : memref<8x24x24x256xf32, #tpu.memory_space<hbm>> -> memref<1x1x24x256xf32, #tpu.memory_space<hbm>>
    %dma_wait3A_225 = tpu.memref_squeeze %dma_wait3A_224 : memref<1x1x24x256xf32, #tpu.memory_space<hbm>> -> memref<24x256xf32, #tpu.memory_space<hbm>>
    %dma_wait3A_226 = arith.constant 0 : i32
    %dma_wait3A_227 = arith.constant 0 : i32
    %dma_wait3A_228 = tpu.memref_slice %arg4[%select_n3A, %add3A_122, %dma_wait3A_226, %dma_wait3A_227] : memref<8x24x24x256xf32, #tpu.memory_space<hbm>> -> memref<1x1x24x256xf32, #tpu.memory_space<hbm>>
    %dma_wait3A_229 = tpu.memref_squeeze %dma_wait3A_228 : memref<1x1x24x256xf32, #tpu.memory_space<hbm>> -> memref<24x256xf32, #tpu.memory_space<hbm>>
    %dma_wait3A_230 = arith.constant 72 : i32
    %dma_wait3A_231 = arith.constant 0 : i32
    %dma_wait3A_232 = tpu.memref_slice %arg6[%dma_wait3A_230, %dma_wait3A_231] : memref<144x256xf32, #tpu.memory_space<vmem>> -> memref<24x256xf32, #tpu.memory_space<vmem>>
    tpu.wait_dma2 semaphore(%arg8 : memref<!tpu.dma_semaphore, #tpu.memory_space<semaphore_mem>>) src(%dma_wait3A_232 : memref<24x256xf32, #tpu.memory_space<vmem>>) dst(%dma_wait3A_229 : memref<24x256xf32, #tpu.memory_space<hbm>>)
    %dma_wait3A_233 = arith.constant 96 : i32
    %dma_wait3A_234 = arith.constant 0 : i32
    %dma_wait3A_235 = tpu.memref_slice %arg6[%dma_wait3A_233, %dma_wait3A_234] : memref<144x256xf32, #tpu.memory_space<vmem>> -> memref<24x256xf32, #tpu.memory_space<vmem>>
    %dma_wait3A_236 = arith.constant 0 : i32
    %dma_wait3A_237 = arith.constant 0 : i32
    %dma_wait3A_238 = tpu.memref_slice %arg4[%select_n3A, %add3A_138, %dma_wait3A_236, %dma_wait3A_237] : memref<8x24x24x256xf32, #tpu.memory_space<hbm>> -> memref<1x1x24x256xf32, #tpu.memory_space<hbm>>
    %dma_wait3A_239 = tpu.memref_squeeze %dma_wait3A_238 : memref<1x1x24x256xf32, #tpu.memory_space<hbm>> -> memref<24x256xf32, #tpu.memory_space<hbm>>
    %dma_wait3A_240 = arith.constant 0 : i32
    %dma_wait3A_241 = arith.constant 0 : i32
    %dma_wait3A_242 = tpu.memref_slice %arg4[%select_n3A, %add3A_138, %dma_wait3A_240, %dma_wait3A_241] : memref<8x24x24x256xf32, #tpu.memory_space<hbm>> -> memref<1x1x24x256xf32, #tpu.memory_space<hbm>>
    %dma_wait3A_243 = tpu.memref_squeeze %dma_wait3A_242 : memref<1x1x24x256xf32, #tpu.memory_space<hbm>> -> memref<24x256xf32, #tpu.memory_space<hbm>>
    %dma_wait3A_244 = arith.constant 96 : i32
    %dma_wait3A_245 = arith.constant 0 : i32
    %dma_wait3A_246 = tpu.memref_slice %arg6[%dma_wait3A_244, %dma_wait3A_245] : memref<144x256xf32, #tpu.memory_space<vmem>> -> memref<24x256xf32, #tpu.memory_space<vmem>>
    tpu.wait_dma2 semaphore(%arg8 : memref<!tpu.dma_semaphore, #tpu.memory_space<semaphore_mem>>) src(%dma_wait3A_246 : memref<24x256xf32, #tpu.memory_space<vmem>>) dst(%dma_wait3A_243 : memref<24x256xf32, #tpu.memory_space<hbm>>)
    %dma_wait3A_247 = arith.constant 120 : i32
    %dma_wait3A_248 = arith.constant 0 : i32
    %dma_wait3A_249 = tpu.memref_slice %arg6[%dma_wait3A_247, %dma_wait3A_248] : memref<144x256xf32, #tpu.memory_space<vmem>> -> memref<24x256xf32, #tpu.memory_space<vmem>>
    %dma_wait3A_250 = arith.constant 0 : i32
    %dma_wait3A_251 = arith.constant 0 : i32
    %dma_wait3A_252 = tpu.memref_slice %arg4[%select_n3A, %add3A_162, %dma_wait3A_250, %dma_wait3A_251] : memref<8x24x24x256xf32, #tpu.memory_space<hbm>> -> memref<1x1x24x256xf32, #tpu.memory_space<hbm>>
    %dma_wait3A_253 = tpu.memref_squeeze %dma_wait3A_252 : memref<1x1x24x256xf32, #tpu.memory_space<hbm>> -> memref<24x256xf32, #tpu.memory_space<hbm>>
    %dma_wait3A_254 = arith.constant 0 : i32
    %dma_wait3A_255 = arith.constant 0 : i32
    %dma_wait3A_256 = tpu.memref_slice %arg4[%select_n3A, %add3A_162, %dma_wait3A_254, %dma_wait3A_255] : memref<8x24x24x256xf32, #tpu.memory_space<hbm>> -> memref<1x1x24x256xf32, #tpu.memory_space<hbm>>
    %dma_wait3A_257 = tpu.memref_squeeze %dma_wait3A_256 : memref<1x1x24x256xf32, #tpu.memory_space<hbm>> -> memref<24x256xf32, #tpu.memory_space<hbm>>
    %dma_wait3A_258 = arith.constant 120 : i32
    %dma_wait3A_259 = arith.constant 0 : i32
    %dma_wait3A_260 = tpu.memref_slice %arg6[%dma_wait3A_258, %dma_wait3A_259] : memref<144x256xf32, #tpu.memory_space<vmem>> -> memref<24x256xf32, #tpu.memory_space<vmem>>
    tpu.wait_dma2 semaphore(%arg8 : memref<!tpu.dma_semaphore, #tpu.memory_space<semaphore_mem>>) src(%dma_wait3A_260 : memref<24x256xf32, #tpu.memory_space<vmem>>) dst(%dma_wait3A_257 : memref<24x256xf32, #tpu.memory_space<hbm>>)
    return
  }
}

module attributes {stable_mosaic.version = 14 : i64} {
  func.func @argmax_body(%arg0: memref<4608x32xf32, #tpu.memory_space<any>>, %arg1: memref<8x24x24xi32, #tpu.memory_space<vmem>>, %arg2: memref<4608xi32, #tpu.memory_space<vmem>>, %arg3: memref<4608x32xf32, #tpu.memory_space<vmem>>, %arg4: memref<2x!tpu.dma_semaphore, #tpu.memory_space<semaphore_mem>>) attributes {dimension_semantics = [], scalar_prefetch = 0 : i64, scratch_operands = 2 : i64, tpu.core_type = #tpu.core_type<tc>} {
    %dma_start3A = arith.constant 0 : i32
    %dma_start3A_0 = tpu.memref_slice %arg4[%dma_start3A] : memref<2x!tpu.dma_semaphore, #tpu.memory_space<semaphore_mem>> -> memref<1x!tpu.dma_semaphore, #tpu.memory_space<semaphore_mem>>
    %dma_start3A_1 = tpu.memref_squeeze %dma_start3A_0 : memref<1x!tpu.dma_semaphore, #tpu.memory_space<semaphore_mem>> -> memref<!tpu.dma_semaphore, #tpu.memory_space<semaphore_mem>>
    %dma_start3A_2 = arith.constant 0 : i32
    %dma_start3A_3 = arith.constant 0 : i32
    %dma_start3A_4 = tpu.memref_slice %arg3[%dma_start3A_2, %dma_start3A_3] : memref<4608x32xf32, #tpu.memory_space<vmem>> -> memref<2304x32xf32, #tpu.memory_space<vmem>>
    %dma_start3A_5 = arith.constant 0 : i32
    %dma_start3A_6 = arith.constant 0 : i32
    %dma_start3A_7 = tpu.memref_slice %arg0[%dma_start3A_5, %dma_start3A_6] : memref<4608x32xf32, #tpu.memory_space<any>> -> memref<2304x32xf32, #tpu.memory_space<any>>
    tpu.enqueue_dma source(%dma_start3A_7 : memref<2304x32xf32, #tpu.memory_space<any>>) target(%dma_start3A_4 : memref<2304x32xf32, #tpu.memory_space<vmem>>) target_semaphore(%dma_start3A_1 : memref<!tpu.dma_semaphore, #tpu.memory_space<semaphore_mem>>)
    %dma_start3A_8 = arith.constant 1 : i32
    %dma_start3A_9 = tpu.memref_slice %arg4[%dma_start3A_8] : memref<2x!tpu.dma_semaphore, #tpu.memory_space<semaphore_mem>> -> memref<1x!tpu.dma_semaphore, #tpu.memory_space<semaphore_mem>>
    %dma_start3A_10 = tpu.memref_squeeze %dma_start3A_9 : memref<1x!tpu.dma_semaphore, #tpu.memory_space<semaphore_mem>> -> memref<!tpu.dma_semaphore, #tpu.memory_space<semaphore_mem>>
    %dma_start3A_11 = arith.constant 2304 : i32
    %dma_start3A_12 = arith.constant 0 : i32
    %dma_start3A_13 = tpu.memref_slice %arg3[%dma_start3A_11, %dma_start3A_12] : memref<4608x32xf32, #tpu.memory_space<vmem>> -> memref<2304x32xf32, #tpu.memory_space<vmem>>
    %dma_start3A_14 = arith.constant 2304 : i32
    %dma_start3A_15 = arith.constant 0 : i32
    %dma_start3A_16 = tpu.memref_slice %arg0[%dma_start3A_14, %dma_start3A_15] : memref<4608x32xf32, #tpu.memory_space<any>> -> memref<2304x32xf32, #tpu.memory_space<any>>
    tpu.enqueue_dma source(%dma_start3A_16 : memref<2304x32xf32, #tpu.memory_space<any>>) target(%dma_start3A_13 : memref<2304x32xf32, #tpu.memory_space<vmem>>) target_semaphore(%dma_start3A_10 : memref<!tpu.dma_semaphore, #tpu.memory_space<semaphore_mem>>)
    %dma_wait3A = arith.constant 0 : i32
    %dma_wait3A_17 = tpu.memref_slice %arg4[%dma_wait3A] : memref<2x!tpu.dma_semaphore, #tpu.memory_space<semaphore_mem>> -> memref<1x!tpu.dma_semaphore, #tpu.memory_space<semaphore_mem>>
    %dma_wait3A_18 = tpu.memref_squeeze %dma_wait3A_17 : memref<1x!tpu.dma_semaphore, #tpu.memory_space<semaphore_mem>> -> memref<!tpu.dma_semaphore, #tpu.memory_space<semaphore_mem>>
    %dma_wait3A_19 = arith.constant 0 : i32
    %dma_wait3A_20 = arith.constant 0 : i32
    %dma_wait3A_21 = tpu.memref_slice %arg3[%dma_wait3A_19, %dma_wait3A_20] : memref<4608x32xf32, #tpu.memory_space<vmem>> -> memref<2304x32xf32, #tpu.memory_space<vmem>>
    %dma_wait3A_22 = arith.constant 0 : i32
    %dma_wait3A_23 = arith.constant 0 : i32
    %dma_wait3A_24 = tpu.memref_slice %arg0[%dma_wait3A_22, %dma_wait3A_23] : memref<4608x32xf32, #tpu.memory_space<any>> -> memref<2304x32xf32, #tpu.memory_space<any>>
    tpu.wait_dma2 semaphore(%dma_wait3A_18 : memref<!tpu.dma_semaphore, #tpu.memory_space<semaphore_mem>>) src(%dma_wait3A_24 : memref<2304x32xf32, #tpu.memory_space<any>>) dst(%dma_wait3A_21 : memref<2304x32xf32, #tpu.memory_space<vmem>>)
    %get3A = arith.constant 0 : index
    %get3A_25 = arith.constant 0 : index
    %get3A_26 = vector.load %arg3[%get3A, %get3A_25] : memref<4608x32xf32, #tpu.memory_space<vmem>>, vector<2304x32xf32>
    %reduce_max3A = arith.constant dense<0xFF800000> : vector<2304xf32>
    %reduce_max3A_27 = vector.multi_reduction <maximumf>, %get3A_26, %reduce_max3A [1] : vector<2304x32xf32> to vector<2304xf32>
    %broadcast_in_dim3A = vector.shape_cast %reduce_max3A_27 : vector<2304xf32> to vector<2304x1xf32>
    %iota3A = tpu.iota {dimensions = array<i32: 1>} : vector<2304x32xi32>
    %convert_element_type3A = arith.sitofp %iota3A : vector<2304x32xi32> to vector<2304x32xf32>
    %eq3A = vector.broadcast %broadcast_in_dim3A : vector<2304x1xf32> to vector<2304x32xf32>
    %eq3A_28 = arith.cmpf oeq, %get3A_26, %eq3A : vector<2304x32xf32>
    %jit3A = arith.constant 3.200000e+01 : f32
    %broadcast_in_dim3A_29 = vector.broadcast %jit3A : f32 to vector<2304x32xf32>
    %select_n3A = arith.select %eq3A_28, %convert_element_type3A, %broadcast_in_dim3A_29 : vector<2304x32xi1>, vector<2304x32xf32>
    %reduce_min3A = arith.constant dense<0x7F800000> : vector<2304xf32>
    %reduce_min3A_30 = vector.multi_reduction <minimumf>, %select_n3A, %reduce_min3A [1] : vector<2304x32xf32> to vector<2304xf32>
    %convert_element_type3A_31 = arith.fptosi %reduce_min3A_30 : vector<2304xf32> to vector<2304xi32>
    %reshape3A = vector.shape_cast %convert_element_type3A_31 : vector<2304xi32> to vector<4x24x24xi32>
    %swap3A = arith.constant 0 : index
    %swap3A_32 = arith.constant 0 : index
    %swap3A_33 = arith.constant 0 : index
    %swap3A_34 = vector.load %arg1[%swap3A, %swap3A_32, %swap3A_33] : memref<8x24x24xi32, #tpu.memory_space<vmem>>, vector<4x24x24xi32>
    tpu.vector_store %arg1[%swap3A, %swap3A_32, %swap3A_33], %reshape3A {strides = array<i32>} : memref<8x24x24xi32, #tpu.memory_space<vmem>>, vector<4x24x24xi32>,
    %iota3A_35 = tpu.iota {dimensions = array<i32: 1>} : vector<1x2304xi32>
    %iota3A_36 = vector.shape_cast %iota3A_35 : vector<1x2304xi32> to vector<2304xi32>
    %add3A = arith.constant 0 : i32
    %add3A_37 = vector.broadcast %add3A : i32 to vector<2304xi32>
    %add3A_38 = arith.addi %add3A_37, %iota3A_36 : vector<2304xi32>
    %mul3A = arith.constant 32 : i32
    %mul3A_39 = vector.broadcast %mul3A : i32 to vector<2304xi32>
    %mul3A_40 = arith.muli %add3A_38, %mul3A_39 : vector<2304xi32>
    %add3A_41 = arith.addi %mul3A_40, %convert_element_type3A_31 : vector<2304xi32>
    %swap3A_42 = arith.constant 0 : index
    %swap3A_43 = vector.load %arg2[%swap3A_42] : memref<4608xi32, #tpu.memory_space<vmem>>, vector<2304xi32>
    tpu.vector_store %arg2[%swap3A_42], %add3A_41 {strides = array<i32>} : memref<4608xi32, #tpu.memory_space<vmem>>, vector<2304xi32>,
    %dma_wait3A_44 = arith.constant 1 : i32
    %dma_wait3A_45 = tpu.memref_slice %arg4[%dma_wait3A_44] : memref<2x!tpu.dma_semaphore, #tpu.memory_space<semaphore_mem>> -> memref<1x!tpu.dma_semaphore, #tpu.memory_space<semaphore_mem>>
    %dma_wait3A_46 = tpu.memref_squeeze %dma_wait3A_45 : memref<1x!tpu.dma_semaphore, #tpu.memory_space<semaphore_mem>> -> memref<!tpu.dma_semaphore, #tpu.memory_space<semaphore_mem>>
    %dma_wait3A_47 = arith.constant 2304 : i32
    %dma_wait3A_48 = arith.constant 0 : i32
    %dma_wait3A_49 = tpu.memref_slice %arg3[%dma_wait3A_47, %dma_wait3A_48] : memref<4608x32xf32, #tpu.memory_space<vmem>> -> memref<2304x32xf32, #tpu.memory_space<vmem>>
    %dma_wait3A_50 = arith.constant 2304 : i32
    %dma_wait3A_51 = arith.constant 0 : i32
    %dma_wait3A_52 = tpu.memref_slice %arg0[%dma_wait3A_50, %dma_wait3A_51] : memref<4608x32xf32, #tpu.memory_space<any>> -> memref<2304x32xf32, #tpu.memory_space<any>>
    tpu.wait_dma2 semaphore(%dma_wait3A_46 : memref<!tpu.dma_semaphore, #tpu.memory_space<semaphore_mem>>) src(%dma_wait3A_52 : memref<2304x32xf32, #tpu.memory_space<any>>) dst(%dma_wait3A_49 : memref<2304x32xf32, #tpu.memory_space<vmem>>)
    %get3A_53 = arith.constant 2304 : index
    %get3A_54 = arith.constant 0 : index
    %get3A_55 = vector.load %arg3[%get3A_53, %get3A_54] : memref<4608x32xf32, #tpu.memory_space<vmem>>, vector<2304x32xf32>
    %reduce_max3A_56 = arith.constant dense<0xFF800000> : vector<2304xf32>
    %reduce_max3A_57 = vector.multi_reduction <maximumf>, %get3A_55, %reduce_max3A_56 [1] : vector<2304x32xf32> to vector<2304xf32>
    %broadcast_in_dim3A_58 = vector.shape_cast %reduce_max3A_57 : vector<2304xf32> to vector<2304x1xf32>
    %iota3A_59 = tpu.iota {dimensions = array<i32: 1>} : vector<2304x32xi32>
    %convert_element_type3A_60 = arith.sitofp %iota3A_59 : vector<2304x32xi32> to vector<2304x32xf32>
    %eq3A_61 = vector.broadcast %broadcast_in_dim3A_58 : vector<2304x1xf32> to vector<2304x32xf32>
    %eq3A_62 = arith.cmpf oeq, %get3A_55, %eq3A_61 : vector<2304x32xf32>
    %jit3A_63 = arith.constant 3.200000e+01 : f32
    %broadcast_in_dim3A_64 = vector.broadcast %jit3A_63 : f32 to vector<2304x32xf32>
    %select_n3A_65 = arith.select %eq3A_62, %convert_element_type3A_60, %broadcast_in_dim3A_64 : vector<2304x32xi1>, vector<2304x32xf32>
    %reduce_min3A_66 = arith.constant dense<0x7F800000> : vector<2304xf32>
    %reduce_min3A_67 = vector.multi_reduction <minimumf>, %select_n3A_65, %reduce_min3A_66 [1] : vector<2304x32xf32> to vector<2304xf32>
    %convert_element_type3A_68 = arith.fptosi %reduce_min3A_67 : vector<2304xf32> to vector<2304xi32>
    %reshape3A_69 = vector.shape_cast %convert_element_type3A_68 : vector<2304xi32> to vector<4x24x24xi32>
    %swap3A_70 = arith.constant 4 : index
    %swap3A_71 = arith.constant 0 : index
    %swap3A_72 = arith.constant 0 : index
    %swap3A_73 = vector.load %arg1[%swap3A_70, %swap3A_71, %swap3A_72] : memref<8x24x24xi32, #tpu.memory_space<vmem>>, vector<4x24x24xi32>
    tpu.vector_store %arg1[%swap3A_70, %swap3A_71, %swap3A_72], %reshape3A_69 {strides = array<i32>} : memref<8x24x24xi32, #tpu.memory_space<vmem>>, vector<4x24x24xi32>,
    %iota3A_74 = tpu.iota {dimensions = array<i32: 1>} : vector<1x2304xi32>
    %iota3A_75 = vector.shape_cast %iota3A_74 : vector<1x2304xi32> to vector<2304xi32>
    %add3A_76 = arith.constant 2304 : i32
    %add3A_77 = vector.broadcast %add3A_76 : i32 to vector<2304xi32>
    %add3A_78 = arith.addi %add3A_77, %iota3A_75 : vector<2304xi32>
    %mul3A_79 = arith.constant 32 : i32
    %mul3A_80 = vector.broadcast %mul3A_79 : i32 to vector<2304xi32>
    %mul3A_81 = arith.muli %add3A_78, %mul3A_80 : vector<2304xi32>
    %add3A_82 = arith.addi %mul3A_81, %convert_element_type3A_68 : vector<2304xi32>
    %swap3A_83 = arith.constant 2304 : index
    %swap3A_84 = vector.load %arg2[%swap3A_83] : memref<4608xi32, #tpu.memory_space<vmem>>, vector<2304xi32>
    tpu.vector_store %arg2[%swap3A_83], %add3A_82 {strides = array<i32>} : memref<4608xi32, #tpu.memory_space<vmem>>, vector<2304xi32>,
    return
  }
}

</mosaic_0001>

<sc_bundles>
// kernel: kernel.4.cloned.1.call-start
scs
__scs_entry_jumppad:
0x0: {  	(pc) =	sbr.rel $0x88, $3  }
0x1: {  	(tag) =	ssettag $0x0;
	lr =	simm.s32 $0x1  }
0x2: {  	[smem:$0x3F9F] =	sst lr;
	_ =	strace $0xD0000000  }
0x3: {  	_ = 	snop  }
0x4: {  	_ = 	snop  }
0x5: {  	_ = 	snop  }
0x6: {  	_ = 	snop  }
0x7: {  	_ = 	snop  }
__scs_overlays_trampoline_lowered:
0x8: {  	[smem:$0x3FAE] =	sst s0  }
0x9: {  	[smem:$0x3FAF] =	sst s1  }
0xa: {  	[smem:$0x3FB0] =	sst s2  }
0xb: {  	[smem:$0x3FB1] =	sst s3  }
0xc: {  	[smem:$0x3FB2] =	sst s4  }
0xd: {  	[smem:$0x3FB3] =	sst s5  }
0xe: {  	[smem:$0x3FB4] =	sst s6  }
0xf: {  	[smem:$0x3FB5] =	sst s7  }
0x10: {  	[smem:$0x3FB6] =	sst s8  }
0x11: {  	[smem:$0x3FB7] =	sst s9;
	s0 =	simm.s32 @!p0 $0x0  }
0x12: {  	s1 =	sld [smem:$0x3F9D];
	s0 =	simm.s32 @p0 $0x1  }
0x13: {  	[smem:$0x3FB8] =	sst s0;
	s0 =	simm.s32 @!p1 $0x0  }
0x14: {  	s2 =	sld [smem:$0x3F9C];
	s0 =	simm.s32 @p1 $0x1  }
0x15: {  	[smem:$0x3FB9] =	sst s0;
	s0 =	simm.s32 @!p2 $0x0  }
0x16: {  	s3 =	sld [smem:$0x3FDB];
	s0 =	simm.s32 @p2 $0x1  }
0x17: {  	s4 =	simm.s32 $0x1BF5;
	[smem:$0x3FBB] =	sst s0  }
0x18: {  	s0 =	sld [smem:$0x3F9E];
	_ =	swait.ge [sflag:s4], $0x0  }
0x19: {  	s7 =	sld [smem:$0x3F9F]  }
0x1a: {  	s8 =	sadd.s32 $0xFFFFE003, lr  }
0x1b: {  	s9 =	sadd.s32 $0xFFFFFEF7, lr;
	s5 =	simm.s32 $0xFFFFFFFF;
	p2 =	slt.u32 s8, $0xFFFFF086  }
0x1c: {  	p1 =	slt.u32 s9, $0xF7A;
	s5 =	simm.s32 @!p2 $0x0  }
0x1d: {  	s5 =	simm.s32 @p1 $0x1;
	p0 =	seq.s32 s7, s2  }
0x1e: {  	s7 =	smul.u32 @!p0 $0xF7A, s2;
	p2 =	seq.s32 @!p0 s5, $0x0  }
0x1f: {  	s9 =	smul.u32 $0xF7A, s1;
	s8 =	simm.s32 @!p0 $0x1BF5;
	p2 =	por !p2, p0  }
0x20: {  	[sflag:s8] =	ssyncset.s32 @!p0 $0xFFFFF086;
	s6 =	sadd.s32 @!p0 s3, s7;
	s7 =	simm.s32 @!p0 $0x108  }
0x21: {  	s3 =	sadd.s32 s3, s9;
	s6 =	sadd.s32 @!p0 $0x88, s6;
	s7 =	simm.s32 @p2 $0x1082  }
0x22: {  	[simem:s7], [sflag:s8] =	dma.local @!p0 [hbm:s6], $0xF7A  }
0x23: {  	s9 =	sor.u32 $0xD0000000, s2;
	s6 =	simm.s32 $0x108;
	_ =	swait.ge @!p0 [sflag:s8], $0x0  }
0x24: {  	s3 =	sadd.s32 $0x88, s3;
	s6 =	simm.s32 @!p1 $0x1082;
	[sflag:s4] =	ssyncset.s32 $0xFFFFF086  }
0x25: {  	[simem:s6], [sflag:s4] =	dma.local [hbm:s3], $0xF7A  }
0x26: {  	[smem:$0x3F9F] =	sst s1;
	(tag) =	ssettag s2;
	_ =	strace s9  }
0x27: {  	s1 =	sld [smem:$0x3FAF]  }
0x28: {  	s2 =	sld [smem:$0x3FB0]  }
0x29: {  	s4 =	sld [smem:$0x3FB2]  }
0x2a: {  	p0 =	seq.s32 s5, $0x0;
	s5 =	sld [smem:$0x3FB3]  }
0x2b: {  	s6 =	sld [smem:$0x3FB4]  }
0x2c: {  	s7 =	sld [smem:$0x3FB5]  }
0x2d: {  	s3 =	simm.s32 $0x108;
	s8 =	sld [smem:$0x3FB6]  }
0x2e: {  	s3 =	simm.s32 @!p0 $0x1082;
	s9 =	sld [smem:$0x3FB7]  }
0x2f: {  	lr =	sadd.s32 s0, s3;
	s0 =	sld [smem:$0x3FAE]  }
0x30: {  	s3 =	sld [smem:$0x3FB1]  }
0x31: {  	[smem:$0x3FBA] =	sst s10  }
0x32: {  	s10 =	sld [smem:$0x3FB8];
	_ =	sdelay $0x3  }
0x33: {  	p0 =	seq.s32 s10, $0x1;
	s10 =	sld [smem:$0x3FBA];
	_ =	sdelay $0x3  }
0x34: {  	[smem:$0x3FBA] =	sst s10  }
0x35: {  	s10 =	sld [smem:$0x3FB9];
	_ =	sdelay $0x3  }
0x36: {  	p1 =	seq.s32 s10, $0x1;
	s10 =	sld [smem:$0x3FBA];
	_ =	sdelay $0x3  }
0x37: {  	[smem:$0x3FBA] =	sst s10  }
0x38: {  	s10 =	sld [smem:$0x3FBB]  }
0x39: {  	_ = 	snop;
	(pc) =	sbr.ind lr, $3  }
0x3a: {  	_ = 	snop  }
0x3b: {  	_ = 	snop  }
0x3c: {  	p2 =	seq.s32 s10, $0x1;
	s10 =	sld [smem:$0x3FBA]  }
0x3d: {  	_ =	shalt  }
0x3e: {  	_ =	shalt  }
0x3f: {  	_ =	shalt  }
0x40: {  	_ =	shalt  }
0x41: {  	_ =	shalt  }
0x42: {  	_ =	shalt  }
0x43: {  	_ =	shalt  }
0x44: {  	_ =	shalt  }
0x45: {  	_ =	shalt  }
0x46: {  	_ =	shalt  }
0x47: {  	_ =	shalt  }
0x48: {  	_ =	shalt  }
0x49: {  	_ =	shalt  }
0x4a: {  	_ =	shalt  }
0x4b: {  	_ =	shalt  }
0x4c: {  	_ =	shalt  }
0x4d: {  	_ =	shalt  }
0x4e: {  	_ =	shalt  }
0x4f: {  	_ =	shalt  }
0x50: {  	_ =	shalt  }
0x51: {  	_ =	shalt  }
0x52: {  	_ =	shalt  }
0x53: {  	_ =	shalt  }
0x54: {  	_ =	shalt  }
0x55: {  	_ =	shalt  }
0x56: {  	_ =	shalt  }
0x57: {  	_ =	shalt  }
0x58: {  	_ =	shalt  }
0x59: {  	_ =	shalt  }
0x5a: {  	_ =	shalt  }
0x5b: {  	_ =	shalt  }
0x5c: {  	_ =	shalt  }
0x5d: {  	_ =	shalt  }
0x5e: {  	_ =	shalt  }
0x5f: {  	_ =	shalt  }
0x60: {  	_ =	shalt  }
0x61: {  	_ =	shalt  }
0x62: {  	_ =	shalt  }
0x63: {  	_ =	shalt  }
0x64: {  	_ =	shalt  }
0x65: {  	_ =	shalt  }
0x66: {  	_ =	shalt  }
0x67: {  	_ =	shalt  }
0x68: {  	_ =	shalt  }
0x69: {  	_ =	shalt  }
0x6a: {  	_ =	shalt  }
0x6b: {  	_ =	shalt  }
0x6c: {  	_ =	shalt  }
0x6d: {  	_ =	shalt  }
0x6e: {  	_ =	shalt  }
0x6f: {  	_ =	shalt  }
0x70: {  	_ =	shalt  }
0x71: {  	_ =	shalt  }
0x72: {  	_ =	shalt  }
0x73: {  	_ =	shalt  }
0x74: {  	_ =	shalt  }
0x75: {  	_ =	shalt  }
0x76: {  	_ =	shalt  }
0x77: {  	_ =	shalt  }
0x78: {  	_ =	shalt  }
0x79: {  	_ =	shalt  }
0x7a: {  	_ =	shalt  }
0x7b: {  	_ =	shalt  }
0x7c: {  	_ =	shalt  }
0x7d: {  	_ =	shalt  }
0x7e: {  	_ =	shalt  }
0x7f: {  	_ =	shalt  }
0x80: {  	_ =	shalt  }
0x81: {  	_ =	shalt  }
0x82: {  	_ =	shalt  }
0x83: {  	_ =	shalt  }
0x84: {  	_ =	shalt  }
0x85: {  	_ =	shalt  }
0x86: {  	_ =	shalt  }
0x87: {  	_ =	shalt  }
.Lfunc_end0:
.L_simem_size_0:
called_computation_lowered:
.L_overlay_start_0:
0x88: {  	s2 =	sld [smem:$0x3FD9]  }
0x89: {  	s3 =	sld [smem:$0x3FFE];
	_ =	sdelay $0x1  }
0x8a: {  	s1 =	srdreg.scid  }
0x8b: {  	s0 =	sand.u32 $0x1, s1  }
0x8c: {  	s14 =	sshll.u32 s0, $0xA;
	s2 =	sadd.s32 s3, s2  }
0x8d: {  	s2 =	sadd.s32 s2, s14  }
0x8e: {  	[smem:$0x3FC6] =	sst s2  }
0x8f: {  	_ = 	snop  }
0x90: {  	s2 =	sld [smem:$0x3FD0];
	_ =	sdelay $0x2  }
0x91: {  	s4 =	simm.s32 $0xA;
	s5 =	simm.s32 $0x10;
	s15 =	sld [smem:$0x3FC9]  }
0x92: {  	[smem:s5], [sflag:s4] =	dma.local [hbm:s2], $0x1  }
0x93: {  	_ =	swait.eq [sflag:s4], $0x1  }
0x94: {  	[sflag:s4] =	ssyncset.done $0x0  }
0x95: {  	[sflag:s4] =	ssyncadd.s32 $0xFFFFFFFF  }
0x96: {  	s16 =	sld [smem:$0x10];
	(tm) =	ssettm $0x1  }
0x97: {  	s17 =	sld [smem:$0x3FFB];
	_ =	sdelay $0x3  }
0x98: {  	_ =	strace s17  }
0x99: {  	s4 =	sld [smem:$0x3FFC];
	_ =	sdelay $0x3  }
0x9a: {  	_ =	strace s4  }
0x9b: {  	s4 =	sld [smem:$0x3FFD];
	_ =	sdelay $0x3  }
0x9c: {  	_ =	strace s4  }
0x9d: {  	_ =	strace $0x8FFFFFFF  }
0x9e: {  	s18 =	sld [smem:$0x3FDB];
	_ =	sdelay $0x1  }
0x9f: {  	s19 =	simm.s32 $_scs_section_size  }
0xa0: {  	s6 =	simm.s32 $_size__tile_overlayer_lowered;
	s7 =	simm.s32 $_tile_overlayer_lowered  }
0xa1: {  	s22 =	simm.s32 $0x1BFF;
	s21 =	sshll.u32 s7, $0x1;
	s4 =	sadd.s32 s19, s18  }
0xa2: {  	s8 =	simm.s32 $0x0;
	s20 =	sshll.u32 s6, $0x1;
	s6 =	sadd.s32 s21, s4  }
0xa3: {  	[timem:s8], [sflag:s22] =	dma.local [hbm:s6], s20  }
0xa4: {  	_ =	swait.ge [sflag:s22], s20  }
0xa5: {  	s5 =	ssub.s32 $0x0, s20;
	[sflag:s22] =	ssyncset.done $0x0  }
0xa6: {  	[sflag:s22] =	ssyncadd.s32 s5;
	_ =	sdelay $0x1  }
0xa7: {  	s23 =	simm.s32 $0x1B8B  }
0xa8: {  	_ =	swait.ge [sflag:s23], $0x1  }
0xa9: {  	[sflag:s23] =	ssyncset.done $0x0  }
0xaa: {  	s25 =	simm.s32 $0x1B8E;
	s24 =	sld [smem:$0x3FFE];
	[sflag:s23] =	ssyncadd.s32 $0xFFFFFFFF  }
0xab: {  	s26 =	simm.s32 $execute0_lowered;
	[smem:$0x3FD2] =	sst s25  }
0xac: {  	s6 =	sshll.u32 s26, $0x1;
	_ =	strace $0x80000046;
	[dreg:$0x1] =	wrdreg $0xFFFFFFFF  }
0xad: {  	s28 =	simm.s32 $_size_execute0_lowered;
	s4 =	sadd.s32 s4, s6;
	[dreg:$0x0] =	wrdreg $0x0  }
0xae: {  	s6 =	sshll.u32 s28, $0x1;
	[dreg:$0x2] =	wrdreg s4  }
0xaf: {  	[dreg:$0x3] =	wrdreg s6  }
0xb0: {  	[dreg:$0x4] =	wrdreg $0xC0  }
0xb1: {  	_ =	task [dreg:s8], $0x5FFFF  }
0xb2: {  	[dreg:$0x1] =	wrdreg $0xFFFFFFFF  }
0xb3: {  	[dreg:$0x0] =	wrdreg $0x60  }
0xb4: {  	[dreg:$0x2] =	wrdreg s15  }
0xb5: {  	[dreg:$0x3] =	wrdreg s24  }
0xb6: {  	[dreg:$0x4] =	wrdreg s16  }
0xb7: {  	[dreg:$0x5] =	wrdreg $0x9  }
0xb8: {  	_ =	task.clear_ibuf [dreg:s8], $0x6FFFF;
	_ =	strace $0x90000046  }
0xb9: {  	s29 =	simm.s32 $0x9;
	_ =	strace $0x80000048  }
0xba: {  	_ =	swait.ge [sflag:s29], $0x1  }
0xbb: {  	[sflag:s29] =	ssyncadd.s32 $0xFFFFFFFF  }
0xbc: {  	_ =	strace $0x90000048  }
0xbd: {  	_ =	sfence  }
0xbe: {  	s30 =	sld [smem:$0x0];
	_ =	sdelay $0x2  }
0xbf: {  	s31 =	sshll.u32 s1, $0xD;
	s1 =	sshrl.u32 s1, $0x2  }
0xc0: {  	s3 =	sand.u32 $0x4000, s31;
	s1 =	sadd.s32 s1, s30  }
0xc1: {  	s0 =	sor.u32 s3, s0;
	s1 =	sshll.u32 s1, $0x11  }
0xc2: {  	s0 =	sor.u32 s1, s0  }
0xc3: {  	s0 =	sadd.s32 $0x8F2B, s0  }
0xc4: {  	[sflag:s0] =	ssyncadd.remote.s32 $0x1  }
0xc5: {  	_ =	sfence.sel $0xFFFF  }
0xc6: {  	[dreg:$0x0] =	wrdreg $0xFFFFFFFF;
	(pc) =	sbr.abs _section_cstart, $3  }
0xc7: {  	[dreg:$0x1] =	wrdreg $0xFFFFFFFF  }
0xc8: {  	_ =	task.clear_ibuf [dreg:s8], $0x2FFFF;
	_ =	strace $0x9FFFFFFF  }
0xc9: {  	(tm) =	ssettm $0x7FFFFFFF  }
tec
execute0_lowered:
.L_overlay_start_1:
0x0: {  	(tag) =	ssettag $0x1  }
0x1: {  	s1 =	rddreg [dreg:$0x0];
	s2 =	srdreg.scid  }
0x2: {  	s0 =	stileid.u32;
	s4 =	rddreg [dreg:$0x1]  }
0x3: {  	s5 =	rddreg [dreg:$0x2];
	s11 =	simm.s32 $0x3;
	s12 =	simm.s32 $0x100  }
0x4: {  	s13 =	simm.s32 $0x900;
	s14 =	simm.s32 $0x1100;
	s15 =	simm.s32 $0x1900  }
0x5: {  	s16 =	simm.s32 $0x2100;
	s17 =	simm.s32 $0x2900;
	s18 =	simm.s32 $0x3100  }
0x6: {  	s19 =	simm.s32 $0x3900;
	s20 =	simm.s32 $0x4100;
	s21 =	simm.s32 $0x4900  }
0x7: {  	s22 =	simm.s32 $0x5100;
	s23 =	simm.s32 $0x5900;
	s24 =	simm.s32 $0x6100  }
0x8: {  	s25 =	simm.s32 $0x6900;
	s28 =	simm.s32 $0x7900;
	s29 =	simm.s32 $0x8100  }
0x9: {  	s2 =	sand.u32 $0x1, s2;
	s3 =	sshll.u32 s0, $0x1;
	s8 =	sshrl.u32 s0, $0x1  }
0xa: {  	s30 =	simm.s32 $0x8900;
	s6 =	sor.u32 s2, s3;
	s8 =	smul.u32 $0x24000, s8  }
0xb: {  	s3 =	simm.s32 $0x0;
	s7 =	smul.u32 $0x12, s6;
	s6 =	sand.u32 $0x3, s6  }
0xc: {  	s2 =	ssub.s32 $0x2, s2;
	[smem:$0x7FF] =	sst s3;
	s6 =	smul.u32 $0x9000, s6  }
0xd: {  	s31 =	simm.s32 $0x1;
	s26 =	sshrl.u32 s2, $0x1;
	_ =	strace $0x80000047  }
0xe: {  	s2 =	ssub.s32 s2, s26;
	s4 =	sadd.s32 s7, s4;
	s6 =	sadd.s32 s8, s6  }
0xf: {  	s26 =	simm.s32 $0x7100;
	s4 =	sadd.s32 $0xA00, s4;
	s6 =	sshrl.u32 s6, $0x3  }
0x10: {  	v2 =	vlaneseq.u32;
	s10 =	smax.u32 s2, $0x1;
	[dreg:$0x4] =	wrdreg s4;
	s4 =	sadd.s32 s5, s6  }
0x11: {  	vm0 =	vmmov $0xffff;
	v1 =	vshrl.u32 v2, $0x3;
	s2 =	simm.s32 $0x2;
	s5 =	sadd.s32 $0x300, s4;
	s6 =	sadd.s32 $0x600, s4  }
0x12: {  	v0 =	vand.u32 $0x7, v2;
	v2 =	vor.u32 $0x8, v2;
	v1 =	vmul.u32 $0x8, v1;
	s7 =	sadd.s32 $0x900, s4;
	s8 =	sadd.s32 $0xC00, s4;
	s9 =	sadd.s32 $0xF00, s4  }
.LBB2_1:
0x13: {  	s0 =	rddreg [dreg:$0x4]  }
0x14: {  	[tilespmem:s3], [sflag:$0x3] =	stream.linear.gather [hbm4b:s0+s3], $0x90, $0x38;
	[tilespmem:$0x9100] =	vst v63  }
0x15: {  	_ =	swait.ge [sflag:s11], $0x90  }
0x16: {  	[sflag:s11] =	ssyncset.done $0x0  }
0x17: {  	[sflag:s11] =	ssyncadd.s32 $0xFFFFFF70  }
0x18: {  	v3 =	vld [tilespmem:$0x0];
	_ =	sdelay $0x4  }
0x19: {  	v4 =	vshll.u32 v3, $0x1  }
0x1a: {  	v3 =	vand.u32 $0x7, v3;
	v4 =	vand.u32 $0xFFFFFFF0, v4  }
0x1b: {  	v3 =	vor.u32 v3, v4  }
0x1c: {  	v4 =	vperm.xlane v3, v0;
	_ =	sdelay $0x1  }
0x1d: {  	v3 =	vperm.xlane v3, v2;
	v4 =	vadd.s32 v1, v4;
	_ =	sdelay $0x1  }
0x1e: {  	v3 =	vadd.s32 v1, v3;
	_ =	sdelay $0x2  }
0x1f: {  	[tilespmem:s12], [sflag:$0x1] =	stream.indirect_vreg.gather [hbm4b:s1+s3], $0x80, v4, vm0, $0xb8;
	[tilespmem:$0x9100] =	vst v63  }
0x20: {  	_ = 	snop  }
0x21: {  	[tilespmem:s13], [sflag:$0x1] =	stream.indirect_vreg.gather [hbm4b:s1+s3], $0x80, v3, vm0, $0xb8;
	[tilespmem:$0x9100] =	vst v63  }
0x22: {  	v3 =	vld [tilespmem:$0x10];
	_ =	sdelay $0x4  }
0x23: {  	v55 =	vshll.u32 v3, $0x1  }
0x24: {  	v3 =	vand.u32 $0x7, v3;
	v4 =	vand.u32 $0xFFFFFFF0, v55  }
0x25: {  	v3 =	vor.u32 v3, v4  }
0x26: {  	v4 =	vperm.xlane v3, v0;
	_ =	sdelay $0x1  }
0x27: {  	v3 =	vperm.xlane v3, v2;
	v4 =	vadd.s32 v1, v4;
	_ =	sdelay $0x1  }
0x28: {  	v3 =	vadd.s32 v1, v3;
	_ =	sdelay $0x2  }
0x29: {  	[tilespmem:s14], [sflag:$0x1] =	stream.indirect_vreg.gather [hbm4b:s1+s3], $0x80, v4, vm0, $0xb8;
	[tilespmem:$0x9100] =	vst v63  }
0x2a: {  	_ = 	snop  }
0x2b: {  	[tilespmem:s15], [sflag:$0x1] =	stream.indirect_vreg.gather [hbm4b:s1+s3], $0x80, v3, vm0, $0xb8;
	[tilespmem:$0x9100] =	vst v63  }
0x2c: {  	v3 =	vld [tilespmem:$0x20];
	_ =	sdelay $0x4  }
0x2d: {  	v56 =	vshll.u32 v3, $0x1  }
0x2e: {  	v3 =	vand.u32 $0x7, v3;
	v4 =	vand.u32 $0xFFFFFFF0, v56  }
0x2f: {  	v3 =	vor.u32 v3, v4  }
0x30: {  	v4 =	vperm.xlane v3, v0;
	_ =	sdelay $0x1  }
0x31: {  	v3 =	vperm.xlane v3, v2;
	v4 =	vadd.s32 v1, v4;
	_ =	sdelay $0x1  }
0x32: {  	v3 =	vadd.s32 v1, v3;
	_ =	sdelay $0x2  }
0x33: {  	[tilespmem:s16], [sflag:$0x1] =	stream.indirect_vreg.gather [hbm4b:s1+s3], $0x80, v4, vm0, $0xb8;
	[tilespmem:$0x9100] =	vst v63  }
0x34: {  	_ = 	snop  }
0x35: {  	[tilespmem:s17], [sflag:$0x1] =	stream.indirect_vreg.gather [hbm4b:s1+s3], $0x80, v3, vm0, $0xb8;
	[tilespmem:$0x9100] =	vst v63  }
0x36: {  	v3 =	vld [tilespmem:$0x30];
	_ =	sdelay $0x4  }
0x37: {  	v57 =	vshll.u32 v3, $0x1  }
0x38: {  	v3 =	vand.u32 $0x7, v3;
	v4 =	vand.u32 $0xFFFFFFF0, v57  }
0x39: {  	v3 =	vor.u32 v3, v4  }
0x3a: {  	v4 =	vperm.xlane v3, v0;
	_ =	sdelay $0x1  }
0x3b: {  	v3 =	vperm.xlane v3, v2;
	v4 =	vadd.s32 v1, v4;
	_ =	sdelay $0x1  }
0x3c: {  	v3 =	vadd.s32 v1, v3;
	_ =	sdelay $0x2  }
0x3d: {  	[tilespmem:s18], [sflag:$0x1] =	stream.indirect_vreg.gather [hbm4b:s1+s3], $0x80, v4, vm0, $0xb8;
	[tilespmem:$0x9100] =	vst v63  }
0x3e: {  	_ = 	snop  }
0x3f: {  	[tilespmem:s19], [sflag:$0x1] =	stream.indirect_vreg.gather [hbm4b:s1+s3], $0x80, v3, vm0, $0xb8;
	[tilespmem:$0x9100] =	vst v63  }
0x40: {  	v3 =	vld.msk [tilespmem:$0x40], $0xff;
	_ =	sdelay $0x4  }
0x41: {  	v58 =	vshll.u32 v3, $0x1  }
0x42: {  	v3 =	vand.u32 $0x7, v3;
	v4 =	vand.u32 $0xFFFFFFF0, v58  }
0x43: {  	v3 =	vor.u32 v3, v4  }
0x44: {  	v3 =	vperm.xlane v3, v0;
	_ =	sdelay $0x1  }
0x45: {  	v3 =	vadd.s32 v1, v3;
	_ =	sdelay $0x4  }
0x46: {  	[tilespmem:s20], [sflag:$0x1] =	stream.indirect_vreg.gather [hbm4b:s1+s3], $0x80, v3, vm0, $0xb8;
	[tilespmem:$0x9100] =	vst v63  }
0x47: {  	v3 =	vld [tilespmem:$0x48];
	_ =	sdelay $0x4  }
0x48: {  	v59 =	vshll.u32 v3, $0x1  }
0x49: {  	v3 =	vand.u32 $0x7, v3;
	v4 =	vand.u32 $0xFFFFFFF0, v59  }
0x4a: {  	v3 =	vor.u32 v3, v4  }
0x4b: {  	v4 =	vperm.xlane v3, v0;
	_ =	sdelay $0x1  }
0x4c: {  	v3 =	vperm.xlane v3, v2;
	v4 =	vadd.s32 v1, v4;
	_ =	sdelay $0x1  }
0x4d: {  	v3 =	vadd.s32 v1, v3;
	_ =	sdelay $0x2  }
0x4e: {  	[tilespmem:s21], [sflag:$0x1] =	stream.indirect_vreg.gather [hbm4b:s1+s3], $0x80, v4, vm0, $0xb8;
	[tilespmem:$0x9100] =	vst v63  }
0x4f: {  	_ = 	snop  }
0x50: {  	[tilespmem:s22], [sflag:$0x1] =	stream.indirect_vreg.gather [hbm4b:s1+s3], $0x80, v3, vm0, $0xb8;
	[tilespmem:$0x9100] =	vst v63  }
0x51: {  	v3 =	vld [tilespmem:$0x58];
	_ =	sdelay $0x4  }
0x52: {  	v60 =	vshll.u32 v3, $0x1  }
0x53: {  	v3 =	vand.u32 $0x7, v3;
	v4 =	vand.u32 $0xFFFFFFF0, v60  }
0x54: {  	v3 =	vor.u32 v3, v4  }
0x55: {  	v4 =	vperm.xlane v3, v0;
	_ =	sdelay $0x1  }
0x56: {  	v3 =	vperm.xlane v3, v2;
	v4 =	vadd.s32 v1, v4;
	_ =	sdelay $0x1  }
0x57: {  	v3 =	vadd.s32 v1, v3;
	_ =	sdelay $0x2  }
0x58: {  	[tilespmem:s23], [sflag:$0x1] =	stream.indirect_vreg.gather [hbm4b:s1+s3], $0x80, v4, vm0, $0xb8;
	[tilespmem:$0x9100] =	vst v63  }
0x59: {  	_ = 	snop  }
0x5a: {  	[tilespmem:s24], [sflag:$0x1] =	stream.indirect_vreg.gather [hbm4b:s1+s3], $0x80, v3, vm0, $0xb8;
	[tilespmem:$0x9100] =	vst v63  }
0x5b: {  	v3 =	vld [tilespmem:$0x68];
	_ =	sdelay $0x4  }
0x5c: {  	v61 =	vshll.u32 v3, $0x1  }
0x5d: {  	v3 =	vand.u32 $0x7, v3;
	v4 =	vand.u32 $0xFFFFFFF0, v61  }
0x5e: {  	v3 =	vor.u32 v3, v4  }
0x5f: {  	v4 =	vperm.xlane v3, v0;
	_ =	sdelay $0x1  }
0x60: {  	v3 =	vperm.xlane v3, v2;
	v4 =	vadd.s32 v1, v4;
	_ =	sdelay $0x1  }
0x61: {  	v3 =	vadd.s32 v1, v3;
	_ =	sdelay $0x2  }
0x62: {  	[tilespmem:s25], [sflag:$0x1] =	stream.indirect_vreg.gather [hbm4b:s1+s3], $0x80, v4, vm0, $0xb8;
	[tilespmem:$0x9100] =	vst v63  }
0x63: {  	_ = 	snop  }
0x64: {  	[tilespmem:s26], [sflag:$0x1] =	stream.indirect_vreg.gather [hbm4b:s1+s3], $0x80, v3, vm0, $0xb8;
	[tilespmem:$0x9100] =	vst v63  }
0x65: {  	v3 =	vld [tilespmem:$0x78];
	_ =	sdelay $0x4  }
0x66: {  	v62 =	vshll.u32 v3, $0x1  }
0x67: {  	v3 =	vand.u32 $0x7, v3;
	v4 =	vand.u32 $0xFFFFFFF0, v62  }
0x68: {  	v3 =	vor.u32 v3, v4  }
0x69: {  	v4 =	vperm.xlane v3, v0;
	_ =	sdelay $0x1  }
0x6a: {  	v3 =	vperm.xlane v3, v2;
	v4 =	vadd.s32 v1, v4;
	_ =	sdelay $0x1  }
0x6b: {  	v3 =	vadd.s32 v1, v3;
	_ =	sdelay $0x2  }
0x6c: {  	[tilespmem:s28], [sflag:$0x1] =	stream.indirect_vreg.gather [hbm4b:s1+s3], $0x80, v4, vm0, $0xb8;
	[tilespmem:$0x9100] =	vst v63  }
0x6d: {  	_ = 	snop  }
0x6e: {  	[tilespmem:s29], [sflag:$0x1] =	stream.indirect_vreg.gather [hbm4b:s1+s3], $0x80, v3, vm0, $0xb8;
	[tilespmem:$0x9100] =	vst v63  }
0x6f: {  	v3 =	vld.msk [tilespmem:$0x88], $0xff;
	_ =	sdelay $0x4  }
0x70: {  	v63 =	vshll.u32 v3, $0x1  }
0x71: {  	v3 =	vand.u32 $0x7, v3;
	v4 =	vand.u32 $0xFFFFFFF0, v63  }
0x72: {  	v3 =	vor.u32 v3, v4  }
0x73: {  	v3 =	vperm.xlane v3, v0;
	_ =	sdelay $0x1  }
0x74: {  	v3 =	vadd.s32 v1, v3;
	_ =	sdelay $0x4  }
0x75: {  	[tilespmem:s30], [sflag:$0x1] =	stream.indirect_vreg.gather [hbm4b:s1+s3], $0x80, v3, vm0, $0xb8;
	[tilespmem:$0x9100] =	vst v63  }
0x76: {  	_ =	swait.ge [sflag:s31], $0x4800  }
0x77: {  	[sflag:s31] =	ssyncset.done $0x0  }
0x78: {  	[sflag:s31] =	ssyncadd.s32 $0xFFFFB800  }
0x79: {  	[hbm4b:s4+s3] =	stream.linear.scatter [tilespmem:s12], [sflag:$0x2], $0x1800, $0x38;
	[tilespmem:$0x9100] =	vst v63  }
0x7a: {  	_ = 	snop  }
0x7b: {  	[hbm4b:s5+s3] =	stream.linear.scatter [tilespmem:s15], [sflag:$0x2], $0x1800, $0x38;
	[tilespmem:$0x9100] =	vst v63  }
0x7c: {  	_ = 	snop  }
0x7d: {  	[hbm4b:s6+s3] =	stream.linear.scatter [tilespmem:s18], [sflag:$0x2], $0x1800, $0x38;
	[tilespmem:$0x9100] =	vst v63  }
0x7e: {  	_ =	swait.ge [sflag:s31], $0x3000  }
0x7f: {  	[sflag:s31] =	ssyncset.done $0x0  }
0x80: {  	[sflag:s31] =	ssyncadd.s32 $0xFFFFD000  }
0x81: {  	[hbm4b:s7+s3] =	stream.linear.scatter [tilespmem:s21], [sflag:$0x2], $0x1800, $0x38;
	[tilespmem:$0x9100] =	vst v63  }
0x82: {  	_ = 	snop  }
0x83: {  	[hbm4b:s8+s3] =	stream.linear.scatter [tilespmem:s24], [sflag:$0x2], $0x1800, $0x38;
	[tilespmem:$0x9100] =	vst v63  }
0x84: {  	_ =	swait.ge [sflag:s31], $0x1800  }
0x85: {  	[sflag:s31] =	ssyncset.done $0x0  }
0x86: {  	[sflag:s31] =	ssyncadd.s32 $0xFFFFE800  }
0x87: {  	[hbm4b:s9+s3] =	stream.linear.scatter [tilespmem:s28], [sflag:$0x2], $0x1800, $0x38;
	[tilespmem:$0x9100] =	vst v63  }
0x88: {  	_ =	swait.ge [sflag:s2], $0x1800  }
0x89: {  	[sflag:s2] =	ssyncset.done $0x0  }
0x8a: {  	[sflag:s2] =	ssyncadd.s32 $0xFFFFE800  }
0x8b: {  	_ =	swait.ge [sflag:s2], $0x1800  }
0x8c: {  	[sflag:s2] =	ssyncset.done $0x0  }
0x8d: {  	[sflag:s2] =	ssyncadd.s32 $0xFFFFE800  }
0x8e: {  	_ =	swait.ge [sflag:s2], $0x1800  }
0x8f: {  	[sflag:s2] =	ssyncset.done $0x0  }
0x90: {  	[sflag:s2] =	ssyncadd.s32 $0xFFFFE800  }
0x91: {  	_ =	swait.ge [sflag:s2], $0x1800  }
0x92: {  	[sflag:s2] =	ssyncset.done $0x0  }
0x93: {  	[sflag:s2] =	ssyncadd.s32 $0xFFFFE800  }
0x94: {  	p0 =	sne.s32 s10, $0x1;
	_ =	swait.ge [sflag:s2], $0x1800  }
.Ltmp0:
0x95: {  	[sflag:s2] =	ssyncset.done $0x0;
	(pc) =	sbr.rel @p0 .LBB2_1-.Ltmp0, $4  }
0x96: {  	[sflag:s2] =	ssyncadd.s32 $0xFFFFE800  }
0x97: {  	_ =	swait.ge [sflag:s2], $0x1800  }
0x98: {  	[sflag:s2] =	ssyncset.done $0x0  }
0x99: {  	s10 =	sadd.s32 $0xFFFFFFFF, s10;
	[sflag:s2] =	ssyncadd.s32 $0xFFFFE800  }
0x9a: {  	_ =	sfence.sel $0x180000  }
0x9b: {  	[bflag:$0x0] =	sbarrier.arrive $0xFFFF  }
0x9c: {  	_ =	strace $0x90000047  }
0x9d: {  	s0 =	stileid.u32;
	[bflag:$0x2] =	sbarrier.arrive $0xFFFF  }
0x9e: {  	p0 =	sne.s32 s0, $0x0;
	s0 =	rddreg [dreg:$0x3]  }
0x9f: {  	s0 =	sadd.s32 @!p0 $0x100000, s0  }
0xa0: {  	[sflag:s0] =	ssyncadd.tile.s32 @!p0 $0x1;
	_ =	shalt  }
.Lfunc_end2:
_tile_overlayer_lowered:
.L_overlay_start_2:
0xa1: {  	(tag) =	ssettag $0x2  }
0xa2: {  	s0 =	rddreg [dreg:$0x0];
	s2 =	stileid.u32  }
0xa3: {  	s1 =	rddreg [dreg:$0x1];
	p0 =	sne.s32 s2, $0x0  }
0xa4: {  	s3 =	rddreg [dreg:$0x2];
	[bflag:$0x3] =	sbarrier.arrive $0xFFFF;
	s2 =	simm.s32 @!p0 $0x1C03  }
0xa5: {  	[timem:s3], [sflag:s2] =	dma.local @!p0 [hbm:s0], s1  }
0xa6: {  	s0 =	simm.s32 @!p0 $0x3  }
0xa7: {  	_ =	swait.ge @!p0 [sflag:s0], s1  }
0xa8: {  	s1 =	ssub.s32 @!p0 $0x0, s1;
	[sflag:s0] =	ssyncset.done @!p0 $0x0  }
0xa9: {  	[sflag:s0] =	ssyncadd.s32 @!p0 s1  }
0xaa: {  	[bflag:$0x3] =	sbarrier.arrive $0xFFFF  }
0xab: {  	_ =	shalt  }

</sc_bundles>
